<compile_context>
chip_gen: v7x
topology: tpu7x:2x2x1
jax: 0.10.2.dev20260603
libtpu: 0.0.44.dev20260713+nightly
codegen_flags: <defaults>
</compile_context>

<pallas_src>
import functools

import jax
import jax.numpy as jnp
from jax import lax
from jax.experimental import pallas as pl
from jax.experimental.pallas import tpu as pltpu
from jax.experimental.pallas import tpu_sc as plsc

BATCH = 1024
SEQ = 200
DIM = 128
TOTAL = BATCH * SEQ

NUM_CORES = 2
NUM_SUBCORES = 16
NUM_WORKERS = NUM_CORES * NUM_SUBCORES
PER_WORKER = TOTAL // NUM_WORKERS

CHUNK = 128
NCHUNK = PER_WORKER // CHUNK

_mesh = plsc.VectorSubcoreMesh(core_axis_name="c", subcore_axis_name="s")


@functools.partial(
    pl.kernel,
    mesh=_mesh,
    out_type=jax.ShapeDtypeStruct((TOTAL, DIM), jnp.float32),
    scratch_types=[
        pltpu.VMEM((CHUNK,), jnp.int32),
        pltpu.VMEM((CHUNK,), jnp.int32),
        pltpu.VMEM((CHUNK, DIM), jnp.float32),
        pltpu.VMEM((CHUNK, DIM), jnp.float32),
        pltpu.SemaphoreType.DMA,
        pltpu.SemaphoreType.DMA,
    ],
)
def _gather_kernel(table_hbm, idx_hbm, out_hbm, idx0, idx1, rows0, rows1,
                   gsem0, gsem1):
    wid = lax.axis_index("s") * NUM_CORES + lax.axis_index("c")
    base = wid * PER_WORKER

    def issue(c, idx_v, rows_v, gsem):
        pltpu.sync_copy(idx_hbm.at[pl.ds(base + c * CHUNK, CHUNK)], idx_v)
        pltpu.async_copy(table_hbm.at[idx_v], rows_v, gsem)

    def wait_gather(idx_v, rows_v, gsem):
        pltpu.make_async_copy(table_hbm.at[idx_v], rows_v, gsem).wait()

    issue(0, idx0, rows0, gsem0)

    def body(j, carry):
        c0 = 2 * j
        wait_gather(idx0, rows0, gsem0)
        issue(c0 + 1, idx1, rows1, gsem1)
        pltpu.sync_copy(rows0, out_hbm.at[pl.ds(base + c0 * CHUNK, CHUNK)])
        wait_gather(idx1, rows1, gsem1)

        @pl.when(c0 + 2 < NCHUNK)
        def _():
            issue(c0 + 2, idx0, rows0, gsem0)

        pltpu.sync_copy(rows1, out_hbm.at[pl.ds(base + (c0 + 1) * CHUNK, CHUNK)])
        return carry

    lax.fori_loop(0, NCHUNK // 2, body, 0)


def kernel(x, table):
    flat = _gather_kernel(table, x.reshape(-1))
    return flat.reshape(BATCH, SEQ, DIM)

# --- scband reference (transcript-rebuilt; emitter-appended) ---
"""Pipeline reference for scband-attention-guided-embedding-77438260347445 (READ-ONLY COPY).

The authoritative reference and input builder live on the scoring server;
editing this copy changes nothing except your own understanding.
"""

import jax, jax.numpy as jnp
import numpy as np

VOCAB = 100000
DIM = 128
BATCH = 1024
SEQ = 200


def setup_inputs(seed: int = 0) -> dict:
    key = jax.random.key(seed)
    k1, k2 = jax.random.split(key)
    x = jax.random.randint(k1, (BATCH, SEQ), 0, VOCAB, dtype=jnp.int64 if jax.config.read('jax_enable_x64') else jnp.int32)
    # base embedding table, init normal(std=0.02) per module __init__
    table = jax.random.normal(k2, (VOCAB, DIM), dtype=jnp.float32) * 0.02
    return {"x": x, "table": table}


def reference(x, table):
    # Freshly-constructed module has no domains (self.domains is empty),
    # so forward is exactly the base embedding gather: h = base_embed(x)
    h = jnp.take(table, x, axis=0)  # [batch, seq, base_dim]
    return h

if __name__ == "__main__":
    import jax
    _d = setup_inputs()
    print(jax.jit(kernel)(*tuple(_d.values())))

</pallas_src>

<mosaic_0001>
#map = affine_map<(d0, d1) -> (0, 0)>
#map1 = affine_map<(d0, d1) -> (0)>
module attributes {stable_mosaic.version = 14 : i64} {
  func.func @_gather_kernel(%arg0: i32, %arg1: i32, %arg2: memref<100000x128xf32, #tpu.memory_space<hbm>>, %arg3: memref<204800xi32, #tpu.memory_space<hbm>>, %arg4: memref<204800x128xf32, #tpu.memory_space<hbm>>, %arg5: memref<128xi32, #tpu.memory_space<vmem>>, %arg6: memref<128xi32, #tpu.memory_space<vmem>>, %arg7: memref<128x128xf32, #tpu.memory_space<vmem>>, %arg8: memref<128x128xf32, #tpu.memory_space<vmem>>, %arg9: memref<!tpu.dma_semaphore, #tpu.memory_space<semaphore_mem>>, %arg10: memref<!tpu.dma_semaphore, #tpu.memory_space<semaphore_mem>>) attributes {dimension_semantics = [#tpu.dimension_semantics<core_parallel>, #tpu.dimension_semantics<subcore_parallel>], iteration_bounds = array<i64: 2, 16>, scalar_prefetch = 0 : i64, scratch_operands = 6 : i64, tpu.core_type = #tpu.core_type<sc_vector_subcore>, window_params = [{transform_indices = #map}, {transform_indices = #map1}, {transform_indices = #map}]} {
    %mul3A = arith.constant 2 : i32
    %mul3A_0 = arith.muli %arg1, %mul3A : i32
    %add3A = arith.addi %mul3A_0, %arg0 : i32
    %mul3A_1 = arith.constant 6400 : i32
    %mul3A_2 = arith.muli %add3A, %mul3A_1 : i32
    %add3A_3 = arith.constant 0 : i32
    %add3A_4 = arith.addi %mul3A_2, %add3A_3 : i32
    "tpu.region"() ({
      %run_scoped3A = tpu.sem_alloc : memref<!tpu.dma_semaphore, #tpu.memory_space<semaphore_mem>>
      %dma_start3A_12 = tpu.memref_slice %arg3[%add3A_4] : memref<204800xi32, #tpu.memory_space<hbm>> -> memref<128xi32, #tpu.memory_space<hbm>>
      %dma_start3A_13 = tpu.memref_slice %arg3[%add3A_4] : memref<204800xi32, #tpu.memory_space<hbm>> -> memref<128xi32, #tpu.memory_space<hbm>>
      tpu.enqueue_dma source(%dma_start3A_13 : memref<128xi32, #tpu.memory_space<hbm>>) target(%arg5 : memref<128xi32, #tpu.memory_space<vmem>>) target_semaphore(%run_scoped3A : memref<!tpu.dma_semaphore, #tpu.memory_space<semaphore_mem>>)
      %dma_wait3A = tpu.memref_slice %arg3[%add3A_4] : memref<204800xi32, #tpu.memory_space<hbm>> -> memref<128xi32, #tpu.memory_space<hbm>>
      %dma_wait3A_14 = tpu.memref_slice %arg3[%add3A_4] : memref<204800xi32, #tpu.memory_space<hbm>> -> memref<128xi32, #tpu.memory_space<hbm>>
      tpu.wait_dma2 semaphore(%run_scoped3A : memref<!tpu.dma_semaphore, #tpu.memory_space<semaphore_mem>>) src(%dma_wait3A_14 : memref<128xi32, #tpu.memory_space<hbm>>) dst(%arg5 : memref<128xi32, #tpu.memory_space<vmem>>)
      tpu.yield
    }) : () -> ()
    %dma_start3A = arith.constant 0 : i32
    %dma_start3A_5 = arith.constant 0 : i32
    %dma_start3A_6 = tpu.memref_slice %arg2[%dma_start3A, %dma_start3A_5] : memref<100000x128xf32, #tpu.memory_space<hbm>> -> memref<100000x128xf32, #tpu.memory_space<hbm>>
    tpu.enqueue_indirect_dma source(%dma_start3A_6 : memref<100000x128xf32, #tpu.memory_space<hbm>>) target(%arg7 : memref<128x128xf32, #tpu.memory_space<vmem>>) offsets(%arg5 : memref<128xi32, #tpu.memory_space<vmem>>) semaphore(%arg9 : memref<!tpu.dma_semaphore, #tpu.memory_space<semaphore_mem>>)
    %scan3A = arith.constant 0 : i32
    %scan3A_7 = arith.constant 0 : i32
    %scan3A_8 = arith.constant 25 : i32
    %scan3A_9 = arith.addi %scan3A_7, %scan3A_8 : i32
    %scan3A_10 = arith.constant 1 : i32
    scf.for %scan3A_12 = %scan3A_7 to %scan3A_9 step %scan3A_10  : i32 {
      %mul3A_13 = arith.constant 2 : i32
      %mul3A_14 = arith.muli %mul3A_13, %scan3A_12 : i32
      %dma_wait3A = arith.constant 0 : i32
      %dma_wait3A_15 = arith.constant 0 : i32
      %dma_wait3A_16 = tpu.memref_slice %arg2[%dma_wait3A, %dma_wait3A_15] : memref<100000x128xf32, #tpu.memory_space<hbm>> -> memref<100000x128xf32, #tpu.memory_space<hbm>>
      tpu.wait_indirect_dma semaphore(%arg9 : memref<!tpu.dma_semaphore, #tpu.memory_space<semaphore_mem>>) src(%dma_wait3A_16 : memref<100000x128xf32, #tpu.memory_space<hbm>>) dst(%arg7 : memref<128x128xf32, #tpu.memory_space<vmem>>)
      %add3A_17 = arith.constant 1 : i32
      %add3A_18 = arith.addi %mul3A_14, %add3A_17 : i32
      %mul3A_19 = arith.constant 128 : i32
      %mul3A_20 = arith.muli %add3A_18, %mul3A_19 : i32
      %add3A_21 = arith.addi %mul3A_2, %mul3A_20 : i32
      "tpu.region"() ({
        %run_scoped3A = tpu.sem_alloc : memref<!tpu.dma_semaphore, #tpu.memory_space<semaphore_mem>>
        %dma_start3A_40 = tpu.memref_slice %arg3[%add3A_21] : memref<204800xi32, #tpu.memory_space<hbm>> -> memref<128xi32, #tpu.memory_space<hbm>>
        %dma_start3A_41 = tpu.memref_slice %arg3[%add3A_21] : memref<204800xi32, #tpu.memory_space<hbm>> -> memref<128xi32, #tpu.memory_space<hbm>>
        tpu.enqueue_dma source(%dma_start3A_41 : memref<128xi32, #tpu.memory_space<hbm>>) target(%arg6 : memref<128xi32, #tpu.memory_space<vmem>>) target_semaphore(%run_scoped3A : memref<!tpu.dma_semaphore, #tpu.memory_space<semaphore_mem>>)
        %dma_wait3A_42 = tpu.memref_slice %arg3[%add3A_21] : memref<204800xi32, #tpu.memory_space<hbm>> -> memref<128xi32, #tpu.memory_space<hbm>>
        %dma_wait3A_43 = tpu.memref_slice %arg3[%add3A_21] : memref<204800xi32, #tpu.memory_space<hbm>> -> memref<128xi32, #tpu.memory_space<hbm>>
        tpu.wait_dma2 semaphore(%run_scoped3A : memref<!tpu.dma_semaphore, #tpu.memory_space<semaphore_mem>>) src(%dma_wait3A_43 : memref<128xi32, #tpu.memory_space<hbm>>) dst(%arg6 : memref<128xi32, #tpu.memory_space<vmem>>)
        tpu.yield
      }) : () -> ()
      %dma_start3A_22 = arith.constant 0 : i32
      %dma_start3A_23 = arith.constant 0 : i32
      %dma_start3A_24 = tpu.memref_slice %arg2[%dma_start3A_22, %dma_start3A_23] : memref<100000x128xf32, #tpu.memory_space<hbm>> -> memref<100000x128xf32, #tpu.memory_space<hbm>>
      tpu.enqueue_indirect_dma source(%dma_start3A_24 : memref<100000x128xf32, #tpu.memory_space<hbm>>) target(%arg8 : memref<128x128xf32, #tpu.memory_space<vmem>>) offsets(%arg6 : memref<128xi32, #tpu.memory_space<vmem>>) semaphore(%arg10 : memref<!tpu.dma_semaphore, #tpu.memory_space<semaphore_mem>>)
      %mul3A_25 = arith.constant 128 : i32
      %mul3A_26 = arith.muli %mul3A_14, %mul3A_25 : i32
      %add3A_27 = arith.addi %mul3A_2, %mul3A_26 : i32
      "tpu.region"() ({
        %run_scoped3A = tpu.sem_alloc : memref<!tpu.dma_semaphore, #tpu.memory_space<semaphore_mem>>
        %dma_start3A_40 = arith.constant 0 : i32
        %dma_start3A_41 = tpu.memref_slice %arg4[%add3A_27, %dma_start3A_40] : memref<204800x128xf32, #tpu.memory_space<hbm>> -> memref<128x128xf32, #tpu.memory_space<hbm>>
        %dma_start3A_42 = arith.constant 0 : i32
        %dma_start3A_43 = tpu.memref_slice %arg4[%add3A_27, %dma_start3A_42] : memref<204800x128xf32, #tpu.memory_space<hbm>> -> memref<128x128xf32, #tpu.memory_space<hbm>>
        tpu.enqueue_dma source(%arg7 : memref<128x128xf32, #tpu.memory_space<vmem>>) target(%dma_start3A_43 : memref<128x128xf32, #tpu.memory_space<hbm>>) target_semaphore(%run_scoped3A : memref<!tpu.dma_semaphore, #tpu.memory_space<semaphore_mem>>)
        %dma_wait3A_44 = arith.constant 0 : i32
        %dma_wait3A_45 = tpu.memref_slice %arg4[%add3A_27, %dma_wait3A_44] : memref<204800x128xf32, #tpu.memory_space<hbm>> -> memref<128x128xf32, #tpu.memory_space<hbm>>
        %dma_wait3A_46 = arith.constant 0 : i32
        %dma_wait3A_47 = tpu.memref_slice %arg4[%add3A_27, %dma_wait3A_46] : memref<204800x128xf32, #tpu.memory_space<hbm>> -> memref<128x128xf32, #tpu.memory_space<hbm>>
        tpu.wait_dma2 semaphore(%run_scoped3A : memref<!tpu.dma_semaphore, #tpu.memory_space<semaphore_mem>>) src(%arg7 : memref<128x128xf32, #tpu.memory_space<vmem>>) dst(%dma_wait3A_47 : memref<128x128xf32, #tpu.memory_space<hbm>>)
        tpu.yield
      }) : () -> ()
      %dma_wait3A_28 = arith.constant 0 : i32
      %dma_wait3A_29 = arith.constant 0 : i32
      %dma_wait3A_30 = tpu.memref_slice %arg2[%dma_wait3A_28, %dma_wait3A_29] : memref<100000x128xf32, #tpu.memory_space<hbm>> -> memref<100000x128xf32, #tpu.memory_space<hbm>>
      tpu.wait_indirect_dma semaphore(%arg10 : memref<!tpu.dma_semaphore, #tpu.memory_space<semaphore_mem>>) src(%dma_wait3A_30 : memref<100000x128xf32, #tpu.memory_space<hbm>>) dst(%arg8 : memref<128x128xf32, #tpu.memory_space<vmem>>)
      %add3A_31 = arith.constant 2 : i32
      %add3A_32 = arith.addi %mul3A_14, %add3A_31 : i32
      %lt3A = arith.constant 50 : i32
      %lt3A_33 = arith.cmpi slt, %add3A_32, %lt3A : i32
      %convert_element_type3A = arith.extui %lt3A_33 : i1 to i32
      %cond3A = arith.constant 0 : i32
      %cond3A_34 = arith.cmpi ne, %convert_element_type3A, %cond3A : i32
      scf.if %cond3A_34 {
        %add3A_40 = arith.constant 2 : i32
        %add3A_41 = arith.addi %mul3A_14, %add3A_40 : i32
        %mul3A_42 = arith.constant 128 : i32
        %mul3A_43 = arith.muli %add3A_41, %mul3A_42 : i32
        %add3A_44 = arith.addi %mul3A_2, %mul3A_43 : i32
        "tpu.region"() ({
          %run_scoped3A = tpu.sem_alloc : memref<!tpu.dma_semaphore, #tpu.memory_space<semaphore_mem>>
          %dma_start3A_48 = tpu.memref_slice %arg3[%add3A_44] : memref<204800xi32, #tpu.memory_space<hbm>> -> memref<128xi32, #tpu.memory_space<hbm>>
          %dma_start3A_49 = tpu.memref_slice %arg3[%add3A_44] : memref<204800xi32, #tpu.memory_space<hbm>> -> memref<128xi32, #tpu.memory_space<hbm>>
          tpu.enqueue_dma source(%dma_start3A_49 : memref<128xi32, #tpu.memory_space<hbm>>) target(%arg5 : memref<128xi32, #tpu.memory_space<vmem>>) target_semaphore(%run_scoped3A : memref<!tpu.dma_semaphore, #tpu.memory_space<semaphore_mem>>)
          %dma_wait3A_50 = tpu.memref_slice %arg3[%add3A_44] : memref<204800xi32, #tpu.memory_space<hbm>> -> memref<128xi32, #tpu.memory_space<hbm>>
          %dma_wait3A_51 = tpu.memref_slice %arg3[%add3A_44] : memref<204800xi32, #tpu.memory_space<hbm>> -> memref<128xi32, #tpu.memory_space<hbm>>
          tpu.wait_dma2 semaphore(%run_scoped3A : memref<!tpu.dma_semaphore, #tpu.memory_space<semaphore_mem>>) src(%dma_wait3A_51 : memref<128xi32, #tpu.memory_space<hbm>>) dst(%arg5 : memref<128xi32, #tpu.memory_space<vmem>>)
          tpu.yield
        }) : () -> ()
        %dma_start3A_45 = arith.constant 0 : i32
        %dma_start3A_46 = arith.constant 0 : i32
        %dma_start3A_47 = tpu.memref_slice %arg2[%dma_start3A_45, %dma_start3A_46] : memref<100000x128xf32, #tpu.memory_space<hbm>> -> memref<100000x128xf32, #tpu.memory_space<hbm>>
        tpu.enqueue_indirect_dma source(%dma_start3A_47 : memref<100000x128xf32, #tpu.memory_space<hbm>>) target(%arg7 : memref<128x128xf32, #tpu.memory_space<vmem>>) offsets(%arg5 : memref<128xi32, #tpu.memory_space<vmem>>) semaphore(%arg9 : memref<!tpu.dma_semaphore, #tpu.memory_space<semaphore_mem>>)
      } else {
      }
      %add3A_35 = arith.constant 1 : i32
      %add3A_36 = arith.addi %mul3A_14, %add3A_35 : i32
      %mul3A_37 = arith.constant 128 : i32
      %mul3A_38 = arith.muli %add3A_36, %mul3A_37 : i32
      %add3A_39 = arith.addi %mul3A_2, %mul3A_38 : i32
      "tpu.region"() ({
        %run_scoped3A = tpu.sem_alloc : memref<!tpu.dma_semaphore, #tpu.memory_space<semaphore_mem>>
        %dma_start3A_40 = arith.constant 0 : i32
        %dma_start3A_41 = tpu.memref_slice %arg4[%add3A_39, %dma_start3A_40] : memref<204800x128xf32, #tpu.memory_space<hbm>> -> memref<128x128xf32, #tpu.memory_space<hbm>>
        %dma_start3A_42 = arith.constant 0 : i32
        %dma_start3A_43 = tpu.memref_slice %arg4[%add3A_39, %dma_start3A_42] : memref<204800x128xf32, #tpu.memory_space<hbm>> -> memref<128x128xf32, #tpu.memory_space<hbm>>
        tpu.enqueue_dma source(%arg8 : memref<128x128xf32, #tpu.memory_space<vmem>>) target(%dma_start3A_43 : memref<128x128xf32, #tpu.memory_space<hbm>>) target_semaphore(%run_scoped3A : memref<!tpu.dma_semaphore, #tpu.memory_space<semaphore_mem>>)
        %dma_wait3A_44 = arith.constant 0 : i32
        %dma_wait3A_45 = tpu.memref_slice %arg4[%add3A_39, %dma_wait3A_44] : memref<204800x128xf32, #tpu.memory_space<hbm>> -> memref<128x128xf32, #tpu.memory_space<hbm>>
        %dma_wait3A_46 = arith.constant 0 : i32
        %dma_wait3A_47 = tpu.memref_slice %arg4[%add3A_39, %dma_wait3A_46] : memref<204800x128xf32, #tpu.memory_space<hbm>> -> memref<128x128xf32, #tpu.memory_space<hbm>>
        tpu.wait_dma2 semaphore(%run_scoped3A : memref<!tpu.dma_semaphore, #tpu.memory_space<semaphore_mem>>) src(%arg8 : memref<128x128xf32, #tpu.memory_space<vmem>>) dst(%dma_wait3A_47 : memref<128x128xf32, #tpu.memory_space<hbm>>)
        tpu.yield
      }) : () -> ()
    }
    %scan3A_11 = arith.constant 25 : i32
    return
  }
}

</mosaic_0001>

<sc_bundles>
// kernel: kernel.3.cloned.1.call-start
scs
__scs_entry_jumppad:
0x0: {  	(pc) =	sbr.rel $0x88, $3  }
0x1: {  	(tag) =	ssettag $0x0;
	lr =	simm.s32 $0x1  }
0x2: {  	[smem:$0x3F9F] =	sst lr;
	_ =	strace $0xD0000000  }
0x3: {  	_ = 	snop  }
0x4: {  	_ = 	snop  }
0x5: {  	_ = 	snop  }
0x6: {  	_ = 	snop  }
0x7: {  	_ = 	snop  }
__scs_overlays_trampoline_lowered:
0x8: {  	[smem:$0x3FAE] =	sst s0  }
0x9: {  	[smem:$0x3FAF] =	sst s1  }
0xa: {  	[smem:$0x3FB0] =	sst s2  }
0xb: {  	[smem:$0x3FB1] =	sst s3  }
0xc: {  	[smem:$0x3FB2] =	sst s4  }
0xd: {  	[smem:$0x3FB3] =	sst s5  }
0xe: {  	[smem:$0x3FB4] =	sst s6  }
0xf: {  	[smem:$0x3FB5] =	sst s7  }
0x10: {  	[smem:$0x3FB6] =	sst s8  }
0x11: {  	[smem:$0x3FB7] =	sst s9;
	s0 =	simm.s32 @!p0 $0x0  }
0x12: {  	s1 =	sld [smem:$0x3F9D];
	s0 =	simm.s32 @p0 $0x1  }
0x13: {  	[smem:$0x3FB8] =	sst s0;
	s0 =	simm.s32 @!p1 $0x0  }
0x14: {  	s2 =	sld [smem:$0x3F9C];
	s0 =	simm.s32 @p1 $0x1  }
0x15: {  	[smem:$0x3FB9] =	sst s0;
	s0 =	simm.s32 @!p2 $0x0  }
0x16: {  	s3 =	sld [smem:$0x3FDB];
	s0 =	simm.s32 @p2 $0x1  }
0x17: {  	s4 =	simm.s32 $0x1BF5;
	[smem:$0x3FBB] =	sst s0  }
0x18: {  	s0 =	sld [smem:$0x3F9E];
	_ =	swait.ge [sflag:s4], $0x0  }
0x19: {  	s7 =	sld [smem:$0x3F9F]  }
0x1a: {  	s8 =	sadd.s32 $0xFFFFE003, lr  }
0x1b: {  	s9 =	sadd.s32 $0xFFFFFEF7, lr;
	s5 =	simm.s32 $0xFFFFFFFF;
	p2 =	slt.u32 s8, $0xFFFFF086  }
0x1c: {  	p1 =	slt.u32 s9, $0xF7A;
	s5 =	simm.s32 @!p2 $0x0  }
0x1d: {  	s5 =	simm.s32 @p1 $0x1;
	p0 =	seq.s32 s7, s2  }
0x1e: {  	s7 =	smul.u32 @!p0 $0xF7A, s2;
	p2 =	seq.s32 @!p0 s5, $0x0  }
0x1f: {  	s9 =	smul.u32 $0xF7A, s1;
	s8 =	simm.s32 @!p0 $0x1BF5;
	p2 =	por !p2, p0  }
0x20: {  	[sflag:s8] =	ssyncset.s32 @!p0 $0xFFFFF086;
	s6 =	sadd.s32 @!p0 s3, s7;
	s7 =	simm.s32 @!p0 $0x108  }
0x21: {  	s3 =	sadd.s32 s3, s9;
	s6 =	sadd.s32 @!p0 $0x88, s6;
	s7 =	simm.s32 @p2 $0x1082  }
0x22: {  	[simem:s7], [sflag:s8] =	dma.local @!p0 [hbm:s6], $0xF7A  }
0x23: {  	s9 =	sor.u32 $0xD0000000, s2;
	s6 =	simm.s32 $0x108;
	_ =	swait.ge @!p0 [sflag:s8], $0x0  }
0x24: {  	s3 =	sadd.s32 $0x88, s3;
	s6 =	simm.s32 @!p1 $0x1082;
	[sflag:s4] =	ssyncset.s32 $0xFFFFF086  }
0x25: {  	[simem:s6], [sflag:s4] =	dma.local [hbm:s3], $0xF7A  }
0x26: {  	[smem:$0x3F9F] =	sst s1;
	(tag) =	ssettag s2;
	_ =	strace s9  }
0x27: {  	s1 =	sld [smem:$0x3FAF]  }
0x28: {  	s2 =	sld [smem:$0x3FB0]  }
0x29: {  	s4 =	sld [smem:$0x3FB2]  }
0x2a: {  	p0 =	seq.s32 s5, $0x0;
	s5 =	sld [smem:$0x3FB3]  }
0x2b: {  	s6 =	sld [smem:$0x3FB4]  }
0x2c: {  	s7 =	sld [smem:$0x3FB5]  }
0x2d: {  	s3 =	simm.s32 $0x108;
	s8 =	sld [smem:$0x3FB6]  }
0x2e: {  	s3 =	simm.s32 @!p0 $0x1082;
	s9 =	sld [smem:$0x3FB7]  }
0x2f: {  	lr =	sadd.s32 s0, s3;
	s0 =	sld [smem:$0x3FAE]  }
0x30: {  	s3 =	sld [smem:$0x3FB1]  }
0x31: {  	[smem:$0x3FBA] =	sst s10  }
0x32: {  	s10 =	sld [smem:$0x3FB8];
	_ =	sdelay $0x3  }
0x33: {  	p0 =	seq.s32 s10, $0x1;
	s10 =	sld [smem:$0x3FBA];
	_ =	sdelay $0x3  }
0x34: {  	[smem:$0x3FBA] =	sst s10  }
0x35: {  	s10 =	sld [smem:$0x3FB9];
	_ =	sdelay $0x3  }
0x36: {  	p1 =	seq.s32 s10, $0x1;
	s10 =	sld [smem:$0x3FBA];
	_ =	sdelay $0x3  }
0x37: {  	[smem:$0x3FBA] =	sst s10  }
0x38: {  	s10 =	sld [smem:$0x3FBB]  }
0x39: {  	_ = 	snop;
	(pc) =	sbr.ind lr, $3  }
0x3a: {  	_ = 	snop  }
0x3b: {  	_ = 	snop  }
0x3c: {  	p2 =	seq.s32 s10, $0x1;
	s10 =	sld [smem:$0x3FBA]  }
0x3d: {  	_ =	shalt  }
0x3e: {  	_ =	shalt  }
0x3f: {  	_ =	shalt  }
0x40: {  	_ =	shalt  }
0x41: {  	_ =	shalt  }
0x42: {  	_ =	shalt  }
0x43: {  	_ =	shalt  }
0x44: {  	_ =	shalt  }
0x45: {  	_ =	shalt  }
0x46: {  	_ =	shalt  }
0x47: {  	_ =	shalt  }
0x48: {  	_ =	shalt  }
0x49: {  	_ =	shalt  }
0x4a: {  	_ =	shalt  }
0x4b: {  	_ =	shalt  }
0x4c: {  	_ =	shalt  }
0x4d: {  	_ =	shalt  }
0x4e: {  	_ =	shalt  }
0x4f: {  	_ =	shalt  }
0x50: {  	_ =	shalt  }
0x51: {  	_ =	shalt  }
0x52: {  	_ =	shalt  }
0x53: {  	_ =	shalt  }
0x54: {  	_ =	shalt  }
0x55: {  	_ =	shalt  }
0x56: {  	_ =	shalt  }
0x57: {  	_ =	shalt  }
0x58: {  	_ =	shalt  }
0x59: {  	_ =	shalt  }
0x5a: {  	_ =	shalt  }
0x5b: {  	_ =	shalt  }
0x5c: {  	_ =	shalt  }
0x5d: {  	_ =	shalt  }
0x5e: {  	_ =	shalt  }
0x5f: {  	_ =	shalt  }
0x60: {  	_ =	shalt  }
0x61: {  	_ =	shalt  }
0x62: {  	_ =	shalt  }
0x63: {  	_ =	shalt  }
0x64: {  	_ =	shalt  }
0x65: {  	_ =	shalt  }
0x66: {  	_ =	shalt  }
0x67: {  	_ =	shalt  }
0x68: {  	_ =	shalt  }
0x69: {  	_ =	shalt  }
0x6a: {  	_ =	shalt  }
0x6b: {  	_ =	shalt  }
0x6c: {  	_ =	shalt  }
0x6d: {  	_ =	shalt  }
0x6e: {  	_ =	shalt  }
0x6f: {  	_ =	shalt  }
0x70: {  	_ =	shalt  }
0x71: {  	_ =	shalt  }
0x72: {  	_ =	shalt  }
0x73: {  	_ =	shalt  }
0x74: {  	_ =	shalt  }
0x75: {  	_ =	shalt  }
0x76: {  	_ =	shalt  }
0x77: {  	_ =	shalt  }
0x78: {  	_ =	shalt  }
0x79: {  	_ =	shalt  }
0x7a: {  	_ =	shalt  }
0x7b: {  	_ =	shalt  }
0x7c: {  	_ =	shalt  }
0x7d: {  	_ =	shalt  }
0x7e: {  	_ =	shalt  }
0x7f: {  	_ =	shalt  }
0x80: {  	_ =	shalt  }
0x81: {  	_ =	shalt  }
0x82: {  	_ =	shalt  }
0x83: {  	_ =	shalt  }
0x84: {  	_ =	shalt  }
0x85: {  	_ =	shalt  }
0x86: {  	_ =	shalt  }
0x87: {  	_ =	shalt  }
.Lfunc_end0:
.L_simem_size_0:
called_computation_lowered:
.L_overlay_start_0:
0x88: {  	s2 =	sld [smem:$0x3FD9]  }
0x89: {  	s3 =	sld [smem:$0x3FFE];
	_ =	sdelay $0x1  }
0x8a: {  	s1 =	srdreg.scid  }
0x8b: {  	s0 =	sand.u32 $0x1, s1  }
0x8c: {  	s17 =	sshll.u32 s0, $0xA;
	s2 =	sadd.s32 s3, s2  }
0x8d: {  	s2 =	sadd.s32 s2, s17  }
0x8e: {  	[smem:$0x3FC6] =	sst s2  }
0x8f: {  	_ = 	snop  }
0x90: {  	s2 =	sld [smem:$0x3FC8]  }
0x91: {  	s18 =	sld [smem:$0x3FD0];
	(tm) =	ssettm $0x1  }
0x92: {  	s4 =	sld [smem:$0x3FFB];
	_ =	sdelay $0x3  }
0x93: {  	_ =	strace s4  }
0x94: {  	s4 =	sld [smem:$0x3FFC];
	_ =	sdelay $0x3  }
0x95: {  	_ =	strace s4  }
0x96: {  	s4 =	sld [smem:$0x3FFD];
	_ =	sdelay $0x3  }
0x97: {  	_ =	strace s4  }
0x98: {  	_ =	strace $0x8FFFFFFF  }
0x99: {  	s19 =	sld [smem:$0x3FDB];
	_ =	sdelay $0x1  }
0x9a: {  	s5 =	simm.s32 $_scs_section_size  }
0x9b: {  	s6 =	simm.s32 $_size__tile_overlayer_lowered;
	s7 =	simm.s32 $_tile_overlayer_lowered  }
0x9c: {  	s22 =	simm.s32 $0x1BFF;
	s21 =	sshll.u32 s7, $0x1;
	s4 =	sadd.s32 s5, s19  }
0x9d: {  	s8 =	simm.s32 $0x0;
	s20 =	sshll.u32 s6, $0x1;
	s6 =	sadd.s32 s21, s4  }
0x9e: {  	[timem:s8], [sflag:s22] =	dma.local [hbm:s6], s20  }
0x9f: {  	_ =	swait.ge [sflag:s22], s20  }
0xa0: {  	s5 =	ssub.s32 $0x0, s20;
	[sflag:s22] =	ssyncset.done $0x0  }
0xa1: {  	[sflag:s22] =	ssyncadd.s32 s5;
	_ =	sdelay $0x1  }
0xa2: {  	s23 =	simm.s32 $0x1B8B  }
0xa3: {  	_ =	swait.ge [sflag:s23], $0x1  }
0xa4: {  	[sflag:s23] =	ssyncset.done $0x0  }
0xa5: {  	s25 =	simm.s32 $0x1B8E;
	s24 =	sld [smem:$0x3FFE];
	[sflag:s23] =	ssyncadd.s32 $0xFFFFFFFF  }
0xa6: {  	s26 =	simm.s32 $execute0_lowered;
	[smem:$0x3FD2] =	sst s25  }
0xa7: {  	s6 =	sshll.u32 s26, $0x1;
	_ =	strace $0x80000046;
	[dreg:$0x1] =	wrdreg $0xFFFFFFFF  }
0xa8: {  	s28 =	simm.s32 $_size_execute0_lowered;
	s4 =	sadd.s32 s4, s6;
	[dreg:$0x0] =	wrdreg $0x0  }
0xa9: {  	s6 =	sshll.u32 s28, $0x1;
	[dreg:$0x2] =	wrdreg s4  }
0xaa: {  	[dreg:$0x3] =	wrdreg s6  }
0xab: {  	[dreg:$0x4] =	wrdreg $0xC0  }
0xac: {  	_ =	task [dreg:s8], $0x5FFFF  }
0xad: {  	[dreg:$0x1] =	wrdreg $0xFFFFFFFF  }
0xae: {  	[dreg:$0x0] =	wrdreg $0x60  }
0xaf: {  	[dreg:$0x2] =	wrdreg s2  }
0xb0: {  	[dreg:$0x3] =	wrdreg s24  }
0xb1: {  	[dreg:$0x4] =	wrdreg s18  }
0xb2: {  	[dreg:$0x5] =	wrdreg $0x9  }
0xb3: {  	_ =	task.clear_ibuf [dreg:s8], $0x6FFFF;
	_ =	strace $0x90000046  }
0xb4: {  	s29 =	simm.s32 $0x9;
	_ =	strace $0x80000048  }
0xb5: {  	_ =	swait.ge [sflag:s29], $0x1  }
0xb6: {  	[sflag:s29] =	ssyncadd.s32 $0xFFFFFFFF  }
0xb7: {  	_ =	strace $0x90000048  }
0xb8: {  	_ =	sfence  }
0xb9: {  	s30 =	sld [smem:$0x0];
	_ =	sdelay $0x2  }
0xba: {  	s31 =	sshll.u32 s1, $0xD;
	s1 =	sshrl.u32 s1, $0x2  }
0xbb: {  	s3 =	sand.u32 $0x4000, s31;
	s1 =	sadd.s32 s1, s30  }
0xbc: {  	s0 =	sor.u32 s3, s0;
	s1 =	sshll.u32 s1, $0x11  }
0xbd: {  	s0 =	sor.u32 s1, s0  }
0xbe: {  	s0 =	sadd.s32 $0x8F2B, s0  }
0xbf: {  	[sflag:s0] =	ssyncadd.remote.s32 $0x1  }
0xc0: {  	_ =	sfence.sel $0xFFFF  }
0xc1: {  	[dreg:$0x0] =	wrdreg $0xFFFFFFFF;
	(pc) =	sbr.abs _section_cstart, $3  }
0xc2: {  	[dreg:$0x1] =	wrdreg $0xFFFFFFFF  }
0xc3: {  	_ =	task.clear_ibuf [dreg:s8], $0x2FFFF;
	_ =	strace $0x9FFFFFFF  }
0xc4: {  	(tm) =	ssettm $0x7FFFFFFF  }
0xc5: {  	_ =	shalt  }
tec
execute0_lowered:
.L_overlay_start_1:
0x0: {  	(tag) =	ssettag $0x1  }
0x1: {  	s1 =	rddreg [dreg:$0x0]  }
0x2: {  	s4 =	rddreg [dreg:$0x1];
	s2 =	srdreg.scid  }
0x3: {  	s0 =	stileid.u32;
	s11 =	rddreg [dreg:$0x2]  }
0x4: {  	s3 =	simm.s32 $0x0;
	s16 =	simm.s32 $0x100;
	s13 =	smul.u32 $0x190000, s0  }
0x5: {  	s17 =	simm.s32 $0x1;
	s18 =	simm.s32 $0x4100;
	s15 =	smul.u32 $0x3200, s0  }
0x6: {  	s19 =	simm.s32 $0x2;
	s10 =	sand.u32 $0x1, s2;
	s25 =	smul.u32 $0x32000, s0  }
0x7: {  	s5 =	sshll.u32 s0, $0x1;
	s2 =	rddreg [dreg:$0x3];
	s14 =	smul.u32 $0xC8000, s10  }
0x8: {  	[smem:$0x7FF] =	sst s3;
	s4 =	sadd.s32 $0x400, s4;
	s24 =	smul.u32 $0x1900, s10  }
0x9: {  	s6 =	sor.u32 s10, s5;
	s20 =	ssub.s32 $0x2, s10;
	s26 =	smul.u32 $0x19000, s10  }
0xa: {  	_ =	strace $0x80000047;
	s7 =	smul.u32 $0x1900, s6;
	s8 =	sshrl.u32 s20, $0x1  }
0xb: {  	s21 =	smul.u32 $0xC8000, s6;
	s28 =	sadd.s32 s25, s11;
	s8 =	ssub.s32 s20, s8  }
0xc: {  	s13 =	sadd.s32 s14, s13;
	s30 =	sadd.s32 s26, s28;
	s14 =	simm.s32 $0x3  }
0xd: {  	s20 =	simm.s32 $0x0;
	s9 =	sshrl.u32 s7, $0x3;
	s6 =	smax.u32 s8, $0x1  }
0xe: {  	s12 =	sadd.s32 $0x1880, s7;
	s22 =	sshrl.u32 s21, $0x3;
	s13 =	sshrl.u32 s13, $0x3  }
0xf: {  	s5 =	sadd.s32 s4, s9;
	s7 =	sshrl.u32 s12, $0x3;
	s8 =	sadd.s32 s11, s22  }
0x10: {  	s23 =	sshll.u32 s12, $0x4;
	s12 =	sadd.s32 s24, s15;
	s10 =	sadd.s32 s13, s11  }
0x11: {  	s15 =	simm.s32 $0x80;
	s7 =	sadd.s32 s4, s7;
	s29 =	sor.u32 $0x80, s12  }
0x12: {  	s8 =	sadd.s32 $0x18000, s8;
	s9 =	sadd.s32 s11, s23;
	s31 =	sshrl.u32 s29, $0x3  }
0x13: {  	s11 =	sadd.s32 $0x100, s12;
	s12 =	sadd.s32 $0x800, s30;
	s13 =	sadd.s32 s31, s4  }
.LBB2_1:
0x14: {  	[tilespmem:s3], [sflag:$0x3] =	stream.linear.gather [hbm4b:s5+s3], $0x80, $0x38;
	[tilespmem:$0x8100] =	vst v63  }
0x15: {  	_ =	swait.ge [sflag:s14], $0x80  }
0x16: {  	[sflag:s14] =	ssyncset.done $0x0  }
0x17: {  	[sflag:s14] =	ssyncadd.s32 $0xFFFFFF80  }
0x18: {  	[tilespmem:s16], [sflag:$0x1] =	stream.indirect.gather [hbm4b:s1+s15], $0x80, s3, s15, $0xb8;
	[tilespmem:$0x8100] =	vst v63  }
0x19: {  	_ =	swait.ge [sflag:s17], $0x4000  }
0x1a: {  	[sflag:s17] =	ssyncset.done $0x0  }
0x1b: {  	[sflag:s17] =	ssyncadd.s32 $0xFFFFC000  }
0x1c: {  	[tilespmem:s15], [sflag:$0x3] =	stream.linear.gather [hbm4b:s13+s3], $0x80, $0x38;
	[tilespmem:$0x8100] =	vst v63  }
0x1d: {  	_ =	swait.ge [sflag:s14], $0x80  }
0x1e: {  	[sflag:s14] =	ssyncset.done $0x0  }
0x1f: {  	[sflag:s14] =	ssyncadd.s32 $0xFFFFFF80  }
0x20: {  	[tilespmem:s18], [sflag:$0x2] =	stream.indirect.gather [hbm4b:s1+s15], $0x80, s15, s15, $0xb8;
	[tilespmem:$0x8100] =	vst v63  }
0x21: {  	s21 =	sadd.s32 $0x0, s10  }
0x22: {  	[hbm4b:s21+s3] =	stream.linear.scatter [tilespmem:s16], [sflag:$0x3], $0x4000, $0x38;
	[tilespmem:$0x8100] =	vst v63  }
0x23: {  	_ =	swait.ge [sflag:s14], $0x4000  }
0x24: {  	[sflag:s14] =	ssyncset.done $0x0  }
0x25: {  	[sflag:s14] =	ssyncadd.s32 $0xFFFFC000  }
0x26: {  	_ =	swait.ge [sflag:s19], $0x4000  }
0x27: {  	s30 =	sshrl.u32 s11, $0x3;
	[sflag:s19] =	ssyncset.done $0x0  }
0x28: {  	s21 =	sadd.s32 s4, s30;
	[sflag:s19] =	ssyncadd.s32 $0xFFFFC000  }
0x29: {  	[tilespmem:s3], [sflag:$0x3] =	stream.linear.gather [hbm4b:s21+s3], $0x80, $0x38;
	[tilespmem:$0x8100] =	vst v63  }
0x2a: {  	_ =	swait.ge [sflag:s14], $0x80  }
0x2b: {  	[sflag:s14] =	ssyncset.done $0x0  }
0x2c: {  	[sflag:s14] =	ssyncadd.s32 $0xFFFFFF80  }
0x2d: {  	[tilespmem:s16], [sflag:$0x1] =	stream.indirect.gather [hbm4b:s1+s15], $0x80, s3, s15, $0xb8;
	[tilespmem:$0x8100] =	vst v63  }
0x2e: {  	s31 =	sadd.s32 $0x0, s12  }
0x2f: {  	[hbm4b:s31+s3] =	stream.linear.scatter [tilespmem:s18], [sflag:$0x3], $0x4000, $0x38;
	[tilespmem:$0x8100] =	vst v63  }
0x30: {  	s22 =	smov.u32 s11;
	_ =	swait.ge [sflag:s14], $0x4000  }
0x31: {  	s23 =	smov.u32 s13;
	s21 =	simm.s32 $0x1000;
	[sflag:s14] =	ssyncset.done $0x0  }
.LBB2_2:
0x32: {  	[sflag:s14] =	ssyncadd.s32 $0xFFFFC000;
	s22 =	sadd.s32 $0x100, s22;
	s23 =	sadd.s32 $0x20, s23  }
0x33: {  	p0 =	sne.s32 s21, $0x17000;
	s24 =	smov.u32 s21;
	s21 =	sadd.s32 $0x1000, s21  }
0x34: {  	_ =	swait.ge [sflag:s17], $0x4000  }
0x35: {  	[sflag:s17] =	ssyncset.done $0x0  }
0x36: {  	[sflag:s17] =	ssyncadd.s32 $0xFFFFC000  }
0x37: {  	[tilespmem:s15], [sflag:$0x3] =	stream.linear.gather [hbm4b:s23+s3], $0x80, $0x38;
	[tilespmem:$0x8100] =	vst v63  }
0x38: {  	_ =	swait.ge [sflag:s14], $0x80  }
0x39: {  	[sflag:s14] =	ssyncset.done $0x0  }
0x3a: {  	[sflag:s14] =	ssyncadd.s32 $0xFFFFFF80  }
0x3b: {  	[tilespmem:s18], [sflag:$0x2] =	stream.indirect.gather [hbm4b:s1+s15], $0x80, s15, s15, $0xb8;
	[tilespmem:$0x8100] =	vst v63  }
0x3c: {  	s25 =	sadd.s32 s24, s10  }
0x3d: {  	[hbm4b:s25+s3] =	stream.linear.scatter [tilespmem:s16], [sflag:$0x3], $0x4000, $0x38;
	[tilespmem:$0x8100] =	vst v63  }
0x3e: {  	_ =	swait.ge [sflag:s14], $0x4000  }
0x3f: {  	[sflag:s14] =	ssyncset.done $0x0  }
0x40: {  	[sflag:s14] =	ssyncadd.s32 $0xFFFFC000  }
0x41: {  	_ =	swait.ge [sflag:s19], $0x4000  }
0x42: {  	s25 =	sshrl.u32 s22, $0x3;
	[sflag:s19] =	ssyncset.done $0x0  }
0x43: {  	s25 =	sadd.s32 s4, s25;
	[sflag:s19] =	ssyncadd.s32 $0xFFFFC000  }
0x44: {  	[tilespmem:s3], [sflag:$0x3] =	stream.linear.gather [hbm4b:s25+s3], $0x80, $0x38;
	[tilespmem:$0x8100] =	vst v63  }
0x45: {  	_ =	swait.ge [sflag:s14], $0x80  }
0x46: {  	[sflag:s14] =	ssyncset.done $0x0  }
0x47: {  	[sflag:s14] =	ssyncadd.s32 $0xFFFFFF80  }
0x48: {  	[tilespmem:s16], [sflag:$0x1] =	stream.indirect.gather [hbm4b:s1+s15], $0x80, s3, s15, $0xb8;
	[tilespmem:$0x8100] =	vst v63  }
.Ltmp0:
0x49: {  	_ = 	snop;
	(pc) =	sbr.rel @p0 .LBB2_2-.Ltmp0, $4  }
0x4a: {  	s24 =	sadd.s32 s24, s12  }
0x4b: {  	[hbm4b:s24+s3] =	stream.linear.scatter [tilespmem:s18], [sflag:$0x3], $0x4000, $0x38;
	[tilespmem:$0x8100] =	vst v63  }
0x4c: {  	_ =	swait.ge [sflag:s14], $0x4000  }
0x4d: {  	[sflag:s14] =	ssyncset.done $0x0  }
0x4e: {  	[sflag:s14] =	ssyncadd.s32 $0xFFFFC000  }
0x4f: {  	_ =	swait.ge [sflag:s17], $0x4000  }
0x50: {  	[sflag:s17] =	ssyncset.done $0x0  }
0x51: {  	[sflag:s17] =	ssyncadd.s32 $0xFFFFC000  }
0x52: {  	[tilespmem:s15], [sflag:$0x3] =	stream.linear.gather [hbm4b:s7+s3], $0x80, $0x38;
	[tilespmem:$0x8100] =	vst v63  }
0x53: {  	_ =	swait.ge [sflag:s14], $0x80  }
0x54: {  	[sflag:s14] =	ssyncset.done $0x0  }
0x55: {  	[sflag:s14] =	ssyncadd.s32 $0xFFFFFF80  }
0x56: {  	[tilespmem:s18], [sflag:$0x2] =	stream.indirect.gather [hbm4b:s1+s15], $0x80, s15, s15, $0xb8;
	[tilespmem:$0x8100] =	vst v63  }
0x57: {  	_ = 	snop  }
0x58: {  	[hbm4b:s8+s3] =	stream.linear.scatter [tilespmem:s16], [sflag:$0x3], $0x4000, $0x38;
	[tilespmem:$0x8100] =	vst v63  }
0x59: {  	_ =	swait.ge [sflag:s14], $0x4000  }
0x5a: {  	[sflag:s14] =	ssyncset.done $0x0  }
0x5b: {  	[sflag:s14] =	ssyncadd.s32 $0xFFFFC000  }
0x5c: {  	s20 =	sadd.s32 $0x1, s20;
	_ =	swait.ge [sflag:s19], $0x4000  }
0x5d: {  	p0 =	sne.s32 s20, s6;
	[sflag:s19] =	ssyncset.done $0x0  }
.Ltmp1:
0x5e: {  	[sflag:s19] =	ssyncadd.s32 $0xFFFFC000;
	(pc) =	sbr.rel @p0 .LBB2_1-.Ltmp1, $4  }
0x5f: {  	[hbm4b:s9+s3] =	stream.linear.scatter [tilespmem:s18], [sflag:$0x3], $0x4000, $0x38;
	[tilespmem:$0x8100] =	vst v63  }
0x60: {  	_ =	swait.ge [sflag:s14], $0x4000  }
0x61: {  	[sflag:s14] =	ssyncset.done $0x0  }
0x62: {  	[sflag:s14] =	ssyncadd.s32 $0xFFFFC000  }
0x63: {  	_ =	sfence.sel $0x180000  }
0x64: {  	[bflag:$0x0] =	sbarrier.arrive $0xFFFF  }
0x65: {  	p0 =	sne.s32 s0, $0x0;
	_ =	strace $0x90000047  }
0x66: {  	s0 =	sadd.s32 @!p0 $0x100000, s2;
	[bflag:$0x2] =	sbarrier.arrive $0xFFFF  }
0x67: {  	[sflag:s0] =	ssyncadd.tile.s32 @!p0 $0x1;
	_ =	shalt  }
.Lfunc_end2:
_tile_overlayer_lowered:
.L_overlay_start_2:
0x68: {  	(tag) =	ssettag $0x2  }
0x69: {  	s0 =	rddreg [dreg:$0x0];
	s2 =	stileid.u32  }
0x6a: {  	s1 =	rddreg [dreg:$0x1];
	p0 =	sne.s32 s2, $0x0  }
0x6b: {  	s3 =	rddreg [dreg:$0x2];
	[bflag:$0x3] =	sbarrier.arrive $0xFFFF;
	s2 =	simm.s32 @!p0 $0x1C03  }
0x6c: {  	[timem:s3], [sflag:s2] =	dma.local @!p0 [hbm:s0], s1  }
0x6d: {  	s0 =	simm.s32 @!p0 $0x3  }
0x6e: {  	_ =	swait.ge @!p0 [sflag:s0], s1  }
0x6f: {  	s1 =	ssub.s32 @!p0 $0x0, s1;
	[sflag:s0] =	ssyncset.done @!p0 $0x0  }
0x70: {  	[sflag:s0] =	ssyncadd.s32 @!p0 s1  }
0x71: {  	[bflag:$0x3] =	sbarrier.arrive $0xFFFF  }
0x72: {  	_ =	shalt  }

</sc_bundles>
